<compile_context>
chip_gen: v7x
topology: tpu7x:2x2x1
jax: 0.10.2.dev20260603
libtpu: 0.0.44.dev20260713+nightly
codegen_flags: <defaults>
</compile_context>

<pallas_src>
import functools

import jax
import jax.numpy as jnp
from jax import lax
from jax.experimental import pallas as pl
from jax.experimental.pallas import tpu as pltpu
from jax.experimental.pallas import tpu_sc as plsc

_N = 1000000
_D_OUT = 2048
_EMB = 128
_B = 1024
_M = 1024
_TAU = 0.07
_GAMMA = 0.5

_NW = 32
_CHUNK = 128
_NEG_PER_W = (_B * _M) // _NW
_NCHUNKS = _NEG_PER_W // _CHUNK
_POS_PER_W = _B // _NW



def _emb_body(x_ref, w_ref, b_ref, o_ref):
    e = jnp.dot(x_ref[...], w_ref[...], preferred_element_type=jnp.float32)
    e = e + b_ref[...]
    n = jnp.sqrt(jnp.sum(e * e, axis=1, keepdims=True))
    o_ref[...] = e / jnp.maximum(n, 1e-12)


def _emb(outputs, W, b2d):
    return pl.pallas_call(
        _emb_body,
        out_shape=jax.ShapeDtypeStruct((_B, _EMB), jnp.float32),
    )(outputs, W, b2d)



def _sc_gather(neg_idx, pos_idx, bank):
    mesh = plsc.VectorSubcoreMesh(core_axis_name="c", subcore_axis_name="s")

    @functools.partial(
        pl.kernel,
        mesh=mesh,
        out_type=[
            jax.ShapeDtypeStruct((_B * _M, _EMB), jnp.float32),
            jax.ShapeDtypeStruct((_B, _EMB), jnp.float32),
        ],
        scratch_types=[
            pltpu.VMEM((_CHUNK,), jnp.int32),
            pltpu.VMEM((_CHUNK, _EMB), jnp.float32),
            pltpu.VMEM((_POS_PER_W,), jnp.int32),
            pltpu.VMEM((_POS_PER_W, _EMB), jnp.float32),
            pltpu.SemaphoreType.DMA,
        ],
    )
    def k(neg_idx_hbm, pos_idx_hbm, bank_hbm, neg_out, pos_out,
          idx_v, rows_v, pidx_v, prows_v, sem):
        wid = lax.axis_index("s") * 2 + lax.axis_index("c")
        base = wid * _NEG_PER_W

        def body(j, carry):
            off = base + j * _CHUNK
            pltpu.sync_copy(neg_idx_hbm.at[pl.ds(off, _CHUNK)], idx_v)
            pltpu.async_copy(bank_hbm.at[idx_v], rows_v, sem).wait()
            pltpu.sync_copy(rows_v, neg_out.at[pl.ds(off, _CHUNK)])
            return carry

        lax.fori_loop(0, _NCHUNKS, body, 0)

        pbase = wid * _POS_PER_W
        pltpu.sync_copy(pos_idx_hbm.at[pl.ds(pbase, _POS_PER_W)], pidx_v)
        pltpu.async_copy(bank_hbm.at[pidx_v], prows_v, sem).wait()
        pltpu.sync_copy(prows_v, pos_out.at[pl.ds(pbase, _POS_PER_W)])

    return k(neg_idx, pos_idx, bank)



_BI = 16


def _loss_body(emb_ref, pos_ref, neg_ref, upd_ref, ds_ref, ns_ref):
    e = emb_ref[...]
    p = pos_ref[...]
    nm = neg_ref[...]

    u_pos = jnp.sum(e * p, axis=1, keepdims=True) / _TAU
    ni = lax.dot_general(e, nm, (((1,), (2,)), ((0,), (0,))),
                         preferred_element_type=jnp.float32)
    u_neg = ni / _TAU

    m = jnp.max(u_neg, axis=1, keepdims=True)
    log_c = m + jnp.log(jnp.sum(jnp.exp(u_neg - m), axis=1, keepdims=True))

    mx = jnp.maximum(u_pos, log_c)
    log_data_denom = mx + jnp.log(jnp.exp(u_pos - mx) + jnp.exp(log_c - mx))
    data_part = jnp.sum(u_pos - log_data_denom)

    mx2 = jnp.maximum(u_neg, log_c)
    log_noise_denom = mx2 + jnp.log(jnp.exp(u_neg - mx2) + jnp.exp(log_c - mx2))
    noise_part = jnp.sum(log_c - log_noise_denom)

    upd = _GAMMA * p + (1.0 - _GAMMA) * e
    nrm = jnp.sqrt(jnp.sum(upd * upd, axis=1, keepdims=True))
    upd_ref[...] = upd / jnp.maximum(nrm, 1e-12)

    @pl.when(pl.program_id(0) == 0)
    def _():
        ds_ref[0, 0] = 0.0
        ns_ref[0, 0] = 0.0

    ds_ref[0, 0] += data_part
    ns_ref[0, 0] += noise_part


def _loss(emb, pos_mem, neg_mem):
    grid = (_B // _BI,)
    return pl.pallas_call(
        _loss_body,
        grid=grid,
        in_specs=[
            pl.BlockSpec((_BI, _EMB), lambda i: (i, 0)),
            pl.BlockSpec((_BI, _EMB), lambda i: (i, 0)),
            pl.BlockSpec((_BI, _M, _EMB), lambda i: (i, 0, 0)),
        ],
        out_specs=[
            pl.BlockSpec((_BI, _EMB), lambda i: (i, 0)),
            pl.BlockSpec(memory_space=pltpu.SMEM),
            pl.BlockSpec(memory_space=pltpu.SMEM),
        ],
        out_shape=[
            jax.ShapeDtypeStruct((_B, _EMB), jnp.float32),
            jax.ShapeDtypeStruct((1, 1), jnp.float32),
            jax.ShapeDtypeStruct((1, 1), jnp.float32),
        ],
    )(emb, pos_mem, neg_mem)


def kernel(outputs, indices, memory_bank, W, b, neg_idxs):
    emb = _emb(outputs.astype(jnp.float32), W, b.reshape(1, _EMB))
    neg_flat, pos_mem = _sc_gather(
        neg_idxs.reshape(-1).astype(jnp.int32),
        indices.astype(jnp.int32),
        memory_bank,
    )
    updated, dsum, nsum = _loss(emb, pos_mem, neg_flat.reshape(_B, _M, _EMB))
    data_loss = -dsum[0, 0] / _B
    noise_loss = -nsum[0, 0] / _B
    loss = data_loss + noise_loss
    return loss, updated, data_loss, noise_loss

# --- scband reference (transcript-rebuilt; emitter-appended) ---
"""Pipeline reference for scband-instance-discrimination-loss-11879879544580 (READ-ONLY COPY).

The authoritative reference and input builder live on the scoring server;
editing this copy changes nothing except your own understanding.
"""

import jax, jax.numpy as jnp
import numpy as np

N = 1000000
D_OUT = 2048
EMB = 128
B = 1024
M = 1024
TAU = 0.07
GAMMA = 0.5


def l2_normalize(x):
    n = jnp.linalg.norm(x, axis=1, keepdims=True)
    return x / jnp.maximum(n, 1e-12)


def setup_inputs(seed: int = 0) -> dict:
    key = jax.random.key(seed)
    k1, k2, k3, k4, k5 = jax.random.split(key, 5)
    outputs = jax.random.normal(k1, (B, D_OUT), dtype=jnp.float32)
    indices = jax.random.randint(k2, (B,), 0, N)
    memory_bank = l2_normalize(jax.random.normal(k3, (N, EMB), dtype=jnp.float32))
    W = jax.random.normal(k4, (D_OUT, EMB), dtype=jnp.float32) * 0.02
    b = jnp.zeros((EMB,), dtype=jnp.float32)
    # torch forward draws negatives with torch.randint inside forward; we
    # materialize them deterministically here so the reference is reproducible.
    neg_idxs = jax.random.randint(k5, (B, M), 0, N)
    return {"outputs": outputs, "indices": indices, "memory_bank": memory_bank,
            "W": W, "b": b, "neg_idxs": neg_idxs}


def reference(outputs, indices, memory_bank, W, b, neg_idxs):
    emb = outputs.astype(jnp.float32) @ W + b
    emb = l2_normalize(emb)
    # index_select under torch.no_grad() -> gather + stop_gradient
    pos_mem = jax.lax.stop_gradient(jnp.take(memory_bank, indices, axis=0))
    pos_inner = jnp.sum(emb * pos_mem, axis=-1)
    neg_mem = jax.lax.stop_gradient(
        jnp.take(memory_bank, neg_idxs.reshape(-1), axis=0).reshape(B, M, EMB))
    neg_inner = jnp.sum(emb[:, None, :] * neg_mem, axis=-1)
    u_pos = pos_inner / TAU
    u_neg = neg_inner / TAU
    # dynamic mode
    log_C_hat = jax.scipy.special.logsumexp(u_neg, axis=1)
    log_data_denom = jax.scipy.special.logsumexp(
        jnp.stack([u_pos, log_C_hat], axis=0), axis=0)
    log_data_prob = u_pos - log_data_denom
    log_noise_denom = jax.scipy.special.logsumexp(
        jnp.stack([u_neg, jnp.broadcast_to(log_C_hat[:, None], u_neg.shape)], axis=0),
        axis=0)
    log_noise_prob = log_C_hat[:, None] - log_noise_denom
    data_loss = -(jnp.sum(log_data_prob) / B)
    noise_loss = -(jnp.sum(log_noise_prob) / B)
    loss = data_loss + noise_loss
    updated = l2_normalize(GAMMA * pos_mem + (1.0 - GAMMA) * emb)
    return (loss,
            jax.lax.stop_gradient(updated),
            jax.lax.stop_gradient(data_loss),
            jax.lax.stop_gradient(noise_loss))

if __name__ == "__main__":
    import jax
    _d = setup_inputs()
    print(jax.jit(kernel)(*tuple(_d.values())))

</pallas_src>

<mosaic_0001>
#map = affine_map<(d0, d1) -> (0)>
#map1 = affine_map<(d0, d1) -> (0, 0)>
module attributes {stable_mosaic.version = 14 : i64} {
  func.func @k(%arg0: i32, %arg1: i32, %arg2: memref<1048576xi32, #tpu.memory_space<hbm>>, %arg3: memref<1024xi32, #tpu.memory_space<hbm>>, %arg4: memref<1000000x128xf32, #tpu.memory_space<hbm>>, %arg5: memref<1048576x128xf32, #tpu.memory_space<hbm>>, %arg6: memref<1024x128xf32, #tpu.memory_space<hbm>>, %arg7: memref<128xi32, #tpu.memory_space<vmem>>, %arg8: memref<128x128xf32, #tpu.memory_space<vmem>>, %arg9: memref<32xi32, #tpu.memory_space<vmem>>, %arg10: memref<32x128xf32, #tpu.memory_space<vmem>>, %arg11: memref<!tpu.dma_semaphore, #tpu.memory_space<semaphore_mem>>) attributes {dimension_semantics = [#tpu.dimension_semantics<core_parallel>, #tpu.dimension_semantics<subcore_parallel>], iteration_bounds = array<i64: 2, 16>, scalar_prefetch = 0 : i64, scratch_operands = 5 : i64, tpu.core_type = #tpu.core_type<sc_vector_subcore>, window_params = [{transform_indices = #map}, {transform_indices = #map}, {transform_indices = #map1}, {transform_indices = #map1}, {transform_indices = #map1}]} {
    %mul3A = arith.constant 2 : i32
    %mul3A_0 = arith.muli %arg1, %mul3A : i32
    %add3A = arith.addi %mul3A_0, %arg0 : i32
    %mul3A_1 = arith.constant 32768 : i32
    %mul3A_2 = arith.muli %add3A, %mul3A_1 : i32
    %scan3A = arith.constant 0 : i32
    %scan3A_3 = arith.constant 0 : i32
    %scan3A_4 = arith.constant 256 : i32
    %scan3A_5 = arith.addi %scan3A_3, %scan3A_4 : i32
    %scan3A_6 = arith.constant 1 : i32
    scf.for %scan3A_14 = %scan3A_3 to %scan3A_5 step %scan3A_6  : i32 {
      %mul3A_15 = arith.constant 128 : i32
      %mul3A_16 = arith.muli %scan3A_14, %mul3A_15 : i32
      %add3A_17 = arith.addi %mul3A_2, %mul3A_16 : i32
      "tpu.region"() ({
        %run_scoped3A = tpu.sem_alloc : memref<!tpu.dma_semaphore, #tpu.memory_space<semaphore_mem>>
        %dma_start3A_24 = tpu.memref_slice %arg2[%add3A_17] : memref<1048576xi32, #tpu.memory_space<hbm>> -> memref<128xi32, #tpu.memory_space<hbm>>
        %dma_start3A_25 = tpu.memref_slice %arg2[%add3A_17] : memref<1048576xi32, #tpu.memory_space<hbm>> -> memref<128xi32, #tpu.memory_space<hbm>>
        tpu.enqueue_dma source(%dma_start3A_25 : memref<128xi32, #tpu.memory_space<hbm>>) target(%arg7 : memref<128xi32, #tpu.memory_space<vmem>>) target_semaphore(%run_scoped3A : memref<!tpu.dma_semaphore, #tpu.memory_space<semaphore_mem>>)
        %dma_wait3A_26 = tpu.memref_slice %arg2[%add3A_17] : memref<1048576xi32, #tpu.memory_space<hbm>> -> memref<128xi32, #tpu.memory_space<hbm>>
        %dma_wait3A_27 = tpu.memref_slice %arg2[%add3A_17] : memref<1048576xi32, #tpu.memory_space<hbm>> -> memref<128xi32, #tpu.memory_space<hbm>>
        tpu.wait_dma2 semaphore(%run_scoped3A : memref<!tpu.dma_semaphore, #tpu.memory_space<semaphore_mem>>) src(%dma_wait3A_27 : memref<128xi32, #tpu.memory_space<hbm>>) dst(%arg7 : memref<128xi32, #tpu.memory_space<vmem>>)
        tpu.yield
      }) : () -> ()
      %dma_start3A_18 = arith.constant 0 : i32
      %dma_start3A_19 = arith.constant 0 : i32
      %dma_start3A_20 = tpu.memref_slice %arg4[%dma_start3A_18, %dma_start3A_19] : memref<1000000x128xf32, #tpu.memory_space<hbm>> -> memref<1000000x128xf32, #tpu.memory_space<hbm>>
      tpu.enqueue_indirect_dma source(%dma_start3A_20 : memref<1000000x128xf32, #tpu.memory_space<hbm>>) target(%arg8 : memref<128x128xf32, #tpu.memory_space<vmem>>) offsets(%arg7 : memref<128xi32, #tpu.memory_space<vmem>>) semaphore(%arg11 : memref<!tpu.dma_semaphore, #tpu.memory_space<semaphore_mem>>)
      %dma_wait3A_21 = arith.constant 0 : i32
      %dma_wait3A_22 = arith.constant 0 : i32
      %dma_wait3A_23 = tpu.memref_slice %arg4[%dma_wait3A_21, %dma_wait3A_22] : memref<1000000x128xf32, #tpu.memory_space<hbm>> -> memref<1000000x128xf32, #tpu.memory_space<hbm>>
      tpu.wait_indirect_dma semaphore(%arg11 : memref<!tpu.dma_semaphore, #tpu.memory_space<semaphore_mem>>) src(%dma_wait3A_23 : memref<1000000x128xf32, #tpu.memory_space<hbm>>) dst(%arg8 : memref<128x128xf32, #tpu.memory_space<vmem>>)
      "tpu.region"() ({
        %run_scoped3A = tpu.sem_alloc : memref<!tpu.dma_semaphore, #tpu.memory_space<semaphore_mem>>
        %dma_start3A_24 = arith.constant 0 : i32
        %dma_start3A_25 = tpu.memref_slice %arg5[%add3A_17, %dma_start3A_24] : memref<1048576x128xf32, #tpu.memory_space<hbm>> -> memref<128x128xf32, #tpu.memory_space<hbm>>
        %dma_start3A_26 = arith.constant 0 : i32
        %dma_start3A_27 = tpu.memref_slice %arg5[%add3A_17, %dma_start3A_26] : memref<1048576x128xf32, #tpu.memory_space<hbm>> -> memref<128x128xf32, #tpu.memory_space<hbm>>
        tpu.enqueue_dma source(%arg8 : memref<128x128xf32, #tpu.memory_space<vmem>>) target(%dma_start3A_27 : memref<128x128xf32, #tpu.memory_space<hbm>>) target_semaphore(%run_scoped3A : memref<!tpu.dma_semaphore, #tpu.memory_space<semaphore_mem>>)
        %dma_wait3A_28 = arith.constant 0 : i32
        %dma_wait3A_29 = tpu.memref_slice %arg5[%add3A_17, %dma_wait3A_28] : memref<1048576x128xf32, #tpu.memory_space<hbm>> -> memref<128x128xf32, #tpu.memory_space<hbm>>
        %dma_wait3A_30 = arith.constant 0 : i32
        %dma_wait3A_31 = tpu.memref_slice %arg5[%add3A_17, %dma_wait3A_30] : memref<1048576x128xf32, #tpu.memory_space<hbm>> -> memref<128x128xf32, #tpu.memory_space<hbm>>
        tpu.wait_dma2 semaphore(%run_scoped3A : memref<!tpu.dma_semaphore, #tpu.memory_space<semaphore_mem>>) src(%arg8 : memref<128x128xf32, #tpu.memory_space<vmem>>) dst(%dma_wait3A_31 : memref<128x128xf32, #tpu.memory_space<hbm>>)
        tpu.yield
      }) : () -> ()
    }
    %scan3A_7 = arith.constant 256 : i32
    %mul3A_8 = arith.constant 32 : i32
    %mul3A_9 = arith.muli %add3A, %mul3A_8 : i32
    "tpu.region"() ({
      %run_scoped3A = tpu.sem_alloc : memref<!tpu.dma_semaphore, #tpu.memory_space<semaphore_mem>>
      %dma_start3A_14 = tpu.memref_slice %arg3[%mul3A_9] : memref<1024xi32, #tpu.memory_space<hbm>> -> memref<32xi32, #tpu.memory_space<hbm>>
      %dma_start3A_15 = tpu.memref_slice %arg3[%mul3A_9] : memref<1024xi32, #tpu.memory_space<hbm>> -> memref<32xi32, #tpu.memory_space<hbm>>
      tpu.enqueue_dma source(%dma_start3A_15 : memref<32xi32, #tpu.memory_space<hbm>>) target(%arg9 : memref<32xi32, #tpu.memory_space<vmem>>) target_semaphore(%run_scoped3A : memref<!tpu.dma_semaphore, #tpu.memory_space<semaphore_mem>>)
      %dma_wait3A_16 = tpu.memref_slice %arg3[%mul3A_9] : memref<1024xi32, #tpu.memory_space<hbm>> -> memref<32xi32, #tpu.memory_space<hbm>>
      %dma_wait3A_17 = tpu.memref_slice %arg3[%mul3A_9] : memref<1024xi32, #tpu.memory_space<hbm>> -> memref<32xi32, #tpu.memory_space<hbm>>
      tpu.wait_dma2 semaphore(%run_scoped3A : memref<!tpu.dma_semaphore, #tpu.memory_space<semaphore_mem>>) src(%dma_wait3A_17 : memref<32xi32, #tpu.memory_space<hbm>>) dst(%arg9 : memref<32xi32, #tpu.memory_space<vmem>>)
      tpu.yield
    }) : () -> ()
    %dma_start3A = arith.constant 0 : i32
    %dma_start3A_10 = arith.constant 0 : i32
    %dma_start3A_11 = tpu.memref_slice %arg4[%dma_start3A, %dma_start3A_10] : memref<1000000x128xf32, #tpu.memory_space<hbm>> -> memref<1000000x128xf32, #tpu.memory_space<hbm>>
    tpu.enqueue_indirect_dma source(%dma_start3A_11 : memref<1000000x128xf32, #tpu.memory_space<hbm>>) target(%arg10 : memref<32x128xf32, #tpu.memory_space<vmem>>) offsets(%arg9 : memref<32xi32, #tpu.memory_space<vmem>>) semaphore(%arg11 : memref<!tpu.dma_semaphore, #tpu.memory_space<semaphore_mem>>)
    %dma_wait3A = arith.constant 0 : i32
    %dma_wait3A_12 = arith.constant 0 : i32
    %dma_wait3A_13 = tpu.memref_slice %arg4[%dma_wait3A, %dma_wait3A_12] : memref<1000000x128xf32, #tpu.memory_space<hbm>> -> memref<1000000x128xf32, #tpu.memory_space<hbm>>
    tpu.wait_indirect_dma semaphore(%arg11 : memref<!tpu.dma_semaphore, #tpu.memory_space<semaphore_mem>>) src(%dma_wait3A_13 : memref<1000000x128xf32, #tpu.memory_space<hbm>>) dst(%arg10 : memref<32x128xf32, #tpu.memory_space<vmem>>)
    "tpu.region"() ({
      %run_scoped3A = tpu.sem_alloc : memref<!tpu.dma_semaphore, #tpu.memory_space<semaphore_mem>>
      %dma_start3A_14 = arith.constant 0 : i32
      %dma_start3A_15 = tpu.memref_slice %arg6[%mul3A_9, %dma_start3A_14] : memref<1024x128xf32, #tpu.memory_space<hbm>> -> memref<32x128xf32, #tpu.memory_space<hbm>>
      %dma_start3A_16 = arith.constant 0 : i32
      %dma_start3A_17 = tpu.memref_slice %arg6[%mul3A_9, %dma_start3A_16] : memref<1024x128xf32, #tpu.memory_space<hbm>> -> memref<32x128xf32, #tpu.memory_space<hbm>>
      tpu.enqueue_dma source(%arg10 : memref<32x128xf32, #tpu.memory_space<vmem>>) target(%dma_start3A_17 : memref<32x128xf32, #tpu.memory_space<hbm>>) target_semaphore(%run_scoped3A : memref<!tpu.dma_semaphore, #tpu.memory_space<semaphore_mem>>)
      %dma_wait3A_18 = arith.constant 0 : i32
      %dma_wait3A_19 = tpu.memref_slice %arg6[%mul3A_9, %dma_wait3A_18] : memref<1024x128xf32, #tpu.memory_space<hbm>> -> memref<32x128xf32, #tpu.memory_space<hbm>>
      %dma_wait3A_20 = arith.constant 0 : i32
      %dma_wait3A_21 = tpu.memref_slice %arg6[%mul3A_9, %dma_wait3A_20] : memref<1024x128xf32, #tpu.memory_space<hbm>> -> memref<32x128xf32, #tpu.memory_space<hbm>>
      tpu.wait_dma2 semaphore(%run_scoped3A : memref<!tpu.dma_semaphore, #tpu.memory_space<semaphore_mem>>) src(%arg10 : memref<32x128xf32, #tpu.memory_space<vmem>>) dst(%dma_wait3A_21 : memref<32x128xf32, #tpu.memory_space<hbm>>)
      tpu.yield
    }) : () -> ()
    return
  }
}

module attributes {stable_mosaic.version = 14 : i64} {
  func.func @_loss_body(%arg0: i32, %arg1: memref<16x128xf32, #tpu.memory_space<vmem>>, %arg2: memref<16x128xf32, #tpu.memory_space<vmem>>, %arg3: memref<16x1024x128xf32, #tpu.memory_space<vmem>>, %arg4: memref<16x128xf32, #tpu.memory_space<vmem>>, %arg5: memref<1x1xf32, #tpu.memory_space<smem>>, %arg6: memref<1x1xf32, #tpu.memory_space<smem>>) attributes {dimension_semantics = [#tpu.dimension_semantics<arbitrary>], iteration_bounds = array<i64: 64>, scalar_prefetch = 0 : i64, scratch_operands = 0 : i64, tpu.core_type = #tpu.core_type<tc>, window_params = [{transform_indices = @transform_0, window_bounds = array<i64: 16, 128>}, {transform_indices = @transform_1, window_bounds = array<i64: 16, 128>}, {transform_indices = @transform_2, window_bounds = array<i64: 16, 1024, 128>}, {transform_indices = @transform_3, window_bounds = array<i64: 16, 128>}, {transform_indices = @transform_4, window_bounds = array<i64: 1, 1>}, {transform_indices = @transform_5, window_bounds = array<i64: 1, 1>}]} {
    %get3A = arith.constant 0 : index
    %get3A_0 = arith.constant 0 : index
    %get3A_1 = vector.load %arg1[%get3A, %get3A_0] : memref<16x128xf32, #tpu.memory_space<vmem>>, vector<16x128xf32>
    %get3A_2 = arith.constant 0 : index
    %get3A_3 = arith.constant 0 : index
    %get3A_4 = vector.load %arg2[%get3A_2, %get3A_3] : memref<16x128xf32, #tpu.memory_space<vmem>>, vector<16x128xf32>
    %get3A_5 = arith.constant 0 : index
    %get3A_6 = arith.constant 0 : index
    %get3A_7 = arith.constant 0 : index
    %get3A_8 = vector.load %arg3[%get3A_5, %get3A_6, %get3A_7] : memref<16x1024x128xf32, #tpu.memory_space<vmem>>, vector<16x1024x128xf32>
    %mul3A = arith.mulf %get3A_1, %get3A_4 : vector<16x128xf32>
    %reduce_sum3A = arith.constant dense<0.000000e+00> : vector<16xf32>
    %reduce_sum3A_9 = vector.multi_reduction <add>, %mul3A, %reduce_sum3A [1] : vector<16x128xf32> to vector<16xf32>
    %broadcast_in_dim3A = vector.shape_cast %reduce_sum3A_9 : vector<16xf32> to vector<16x1xf32>
    %div3A = arith.constant 7.000000e-02 : f32
    %div3A_10 = vector.broadcast %div3A : f32 to vector<16x1xf32>
    %div3A_11 = arith.divf %broadcast_in_dim3A, %div3A_10 : vector<16x1xf32>
    %dot_general3A = arith.constant dense<0.000000e+00> : vector<16x1024xf32>
    %dot_general3A_12 = tpu.matmul %get3A_1, %get3A_8, %dot_general3A {dimension_numbers = #tpu.dot_dimension_numbers<[1], [2], [], [1], [0, 0, 1, 1], [0], [0]>, transpose_lhs_hint = false} : vector<16x128xf32>, vector<16x1024x128xf32>, vector<16x1024xf32> -> vector<16x1024xf32>
    %div3A_13 = arith.constant 7.000000e-02 : f32
    %div3A_14 = vector.broadcast %div3A_13 : f32 to vector<16x1024xf32>
    %div3A_15 = arith.divf %dot_general3A_12, %div3A_14 : vector<16x1024xf32>
    %reduce_max3A = arith.constant dense<0xFF800000> : vector<16xf32>
    %reduce_max3A_16 = vector.multi_reduction <maximumf>, %div3A_15, %reduce_max3A [1] : vector<16x1024xf32> to vector<16xf32>
    %broadcast_in_dim3A_17 = vector.shape_cast %reduce_max3A_16 : vector<16xf32> to vector<16x1xf32>
    %sub3A = vector.broadcast %broadcast_in_dim3A_17 : vector<16x1xf32> to vector<16x1024xf32>
    %sub3A_18 = arith.subf %div3A_15, %sub3A : vector<16x1024xf32>
    %exp3A = math.exp %sub3A_18 : vector<16x1024xf32>
    %reduce_sum3A_19 = arith.constant dense<0.000000e+00> : vector<16xf32>
    %reduce_sum3A_20 = vector.multi_reduction <add>, %exp3A, %reduce_sum3A_19 [1] : vector<16x1024xf32> to vector<16xf32>
    %broadcast_in_dim3A_21 = vector.shape_cast %reduce_sum3A_20 : vector<16xf32> to vector<16x1xf32>
    %log3A = math.log %broadcast_in_dim3A_21 : vector<16x1xf32>
    %add3A = arith.addf %broadcast_in_dim3A_17, %log3A : vector<16x1xf32>
    %max3A = arith.maximumf %div3A_11, %add3A : vector<16x1xf32>
    %sub3A_22 = arith.subf %div3A_11, %max3A : vector<16x1xf32>
    %exp3A_23 = math.exp %sub3A_22 : vector<16x1xf32>
    %sub3A_24 = arith.subf %add3A, %max3A : vector<16x1xf32>
    %exp3A_25 = math.exp %sub3A_24 : vector<16x1xf32>
    %add3A_26 = arith.addf %exp3A_23, %exp3A_25 : vector<16x1xf32>
    %log3A_27 = math.log %add3A_26 : vector<16x1xf32>
    %add3A_28 = arith.addf %max3A, %log3A_27 : vector<16x1xf32>
    %sub3A_29 = arith.subf %div3A_11, %add3A_28 : vector<16x1xf32>
    %reduce_sum3A_30 = vector.shape_cast %sub3A_29 : vector<16x1xf32> to vector<1x16x1xf32>
    %reduce_sum3A_31 = arith.constant dense<0.000000e+00> : vector<1xf32>
    %reduce_sum3A_32 = vector.multi_reduction <add>, %reduce_sum3A_30, %reduce_sum3A_31 [1, 2] : vector<1x16x1xf32> to vector<1xf32>
    %reduce_sum3A_33 = vector.shape_cast %reduce_sum3A_32 : vector<1xf32> to vector<1x1x1xf32>
    %reduce_sum3A_34 = vector.extract %reduce_sum3A_33[0, 0, 0] : f32 from vector<1x1x1xf32>
    %max3A_35 = vector.broadcast %add3A : vector<16x1xf32> to vector<16x1024xf32>
    %max3A_36 = arith.maximumf %div3A_15, %max3A_35 : vector<16x1024xf32>
    %sub3A_37 = arith.subf %div3A_15, %max3A_36 : vector<16x1024xf32>
    %exp3A_38 = math.exp %sub3A_37 : vector<16x1024xf32>
    %sub3A_39 = vector.broadcast %add3A : vector<16x1xf32> to vector<16x1024xf32>
    %sub3A_40 = arith.subf %sub3A_39, %max3A_36 : vector<16x1024xf32>
    %exp3A_41 = math.exp %sub3A_40 : vector<16x1024xf32>
    %add3A_42 = arith.addf %exp3A_38, %exp3A_41 : vector<16x1024xf32>
    %log3A_43 = math.log %add3A_42 : vector<16x1024xf32>
    %add3A_44 = arith.addf %max3A_36, %log3A_43 : vector<16x1024xf32>
    %sub3A_45 = vector.broadcast %add3A : vector<16x1xf32> to vector<16x1024xf32>
    %sub3A_46 = arith.subf %sub3A_45, %add3A_44 : vector<16x1024xf32>
    %reduce_sum3A_47 = vector.shape_cast %sub3A_46 : vector<16x1024xf32> to vector<1x16x1024xf32>
    %reduce_sum3A_48 = arith.constant dense<0.000000e+00> : vector<1xf32>
    %reduce_sum3A_49 = vector.multi_reduction <add>, %reduce_sum3A_47, %reduce_sum3A_48 [1, 2] : vector<1x16x1024xf32> to vector<1xf32>
    %reduce_sum3A_50 = vector.shape_cast %reduce_sum3A_49 : vector<1xf32> to vector<1x1x1xf32>
    %reduce_sum3A_51 = vector.extract %reduce_sum3A_50[0, 0, 0] : f32 from vector<1x1x1xf32>
    %mul3A_52 = arith.constant 5.000000e-01 : f32
    %mul3A_53 = vector.broadcast %mul3A_52 : f32 to vector<16x128xf32>
    %mul3A_54 = arith.mulf %mul3A_53, %get3A_4 : vector<16x128xf32>
    %mul3A_55 = arith.constant 5.000000e-01 : f32
    %mul3A_56 = vector.broadcast %mul3A_55 : f32 to vector<16x128xf32>
    %mul3A_57 = arith.mulf %mul3A_56, %get3A_1 : vector<16x128xf32>
    %add3A_58 = arith.addf %mul3A_54, %mul3A_57 : vector<16x128xf32>
    %mul3A_59 = arith.mulf %add3A_58, %add3A_58 : vector<16x128xf32>
    %reduce_sum3A_60 = arith.constant dense<0.000000e+00> : vector<16xf32>
    %reduce_sum3A_61 = vector.multi_reduction <add>, %mul3A_59, %reduce_sum3A_60 [1] : vector<16x128xf32> to vector<16xf32>
    %broadcast_in_dim3A_62 = vector.shape_cast %reduce_sum3A_61 : vector<16xf32> to vector<16x1xf32>
    %sqrt3A = math.sqrt %broadcast_in_dim3A_62 : vector<16x1xf32>
    %max3A_63 = arith.constant 9.99999996E-13 : f32
    %max3A_64 = vector.broadcast %max3A_63 : f32 to vector<16x1xf32>
    %max3A_65 = arith.maximumf %sqrt3A, %max3A_64 : vector<16x1xf32>
    %div3A_66 = vector.broadcast %max3A_65 : vector<16x1xf32> to vector<16x128xf32>
    %div3A_67 = arith.divf %add3A_58, %div3A_66 : vector<16x128xf32>
    %swap3A = arith.constant 0 : index
    %swap3A_68 = arith.constant 0 : index
    %swap3A_69 = vector.load %arg4[%swap3A, %swap3A_68] : memref<16x128xf32, #tpu.memory_space<vmem>>, vector<16x128xf32>
    tpu.vector_store %arg4[%swap3A, %swap3A_68], %div3A_67 {strides = array<i32>} : memref<16x128xf32, #tpu.memory_space<vmem>>, vector<16x128xf32>,
    %eq3A = arith.constant 0 : i32
    %eq3A_70 = arith.cmpi eq, %arg0, %eq3A : i32
    %convert_element_type3A = arith.extui %eq3A_70 : i1 to i32
    %cond3A = arith.constant 0 : i32
    %cond3A_71 = arith.cmpi ne, %convert_element_type3A, %cond3A : i32
    scf.if %cond3A_71 {
      %swap3A_86 = arith.constant 0.000000e+00 : f32
      %swap3A_87 = arith.constant 0 : index
      %swap3A_88 = arith.constant 0 : index
      %swap3A_89 = memref.load %arg5[%swap3A_87, %swap3A_88] : memref<1x1xf32, #tpu.memory_space<smem>>
      memref.store %swap3A_86, %arg5[%swap3A_87, %swap3A_88] : memref<1x1xf32, #tpu.memory_space<smem>>
      %swap3A_90 = arith.constant 0.000000e+00 : f32
      %swap3A_91 = arith.constant 0 : index
      %swap3A_92 = arith.constant 0 : index
      %swap3A_93 = memref.load %arg6[%swap3A_91, %swap3A_92] : memref<1x1xf32, #tpu.memory_space<smem>>
      memref.store %swap3A_90, %arg6[%swap3A_91, %swap3A_92] : memref<1x1xf32, #tpu.memory_space<smem>>
    } else {
    }
    %get3A_72 = arith.constant 0 : index
    %get3A_73 = arith.constant 0 : index
    %get3A_74 = memref.load %arg5[%get3A_72, %get3A_73] : memref<1x1xf32, #tpu.memory_space<smem>>
    %add3A_75 = arith.addf %get3A_74, %reduce_sum3A_34 : f32
    %swap3A_76 = arith.constant 0 : index
    %swap3A_77 = arith.constant 0 : index
    %swap3A_78 = memref.load %arg5[%swap3A_76, %swap3A_77] : memref<1x1xf32, #tpu.memory_space<smem>>
    memref.store %add3A_75, %arg5[%swap3A_76, %swap3A_77] : memref<1x1xf32, #tpu.memory_space<smem>>
    %get3A_79 = arith.constant 0 : index
    %get3A_80 = arith.constant 0 : index
    %get3A_81 = memref.load %arg6[%get3A_79, %get3A_80] : memref<1x1xf32, #tpu.memory_space<smem>>
    %add3A_82 = arith.addf %get3A_81, %reduce_sum3A_51 : f32
    %swap3A_83 = arith.constant 0 : index
    %swap3A_84 = arith.constant 0 : index
    %swap3A_85 = memref.load %arg6[%swap3A_83, %swap3A_84] : memref<1x1xf32, #tpu.memory_space<smem>>
    memref.store %add3A_82, %arg6[%swap3A_83, %swap3A_84] : memref<1x1xf32, #tpu.memory_space<smem>>
    return
  }
  func.func @transform_0(%arg0: i32) -> (i32, i32) {
    %c0_i32 = arith.constant 0 : i32
    %c0_i32_0 = arith.constant 0 : i32
    return %arg0, %c0_i32 : i32, i32
  }
  func.func @transform_1(%arg0: i32) -> (i32, i32) {
    %c0_i32 = arith.constant 0 : i32
    %c0_i32_0 = arith.constant 0 : i32
    return %arg0, %c0_i32 : i32, i32
  }
  func.func @transform_2(%arg0: i32) -> (i32, i32, i32) {
    %c0_i32 = arith.constant 0 : i32
    %c0_i32_0 = arith.constant 0 : i32
    %c0_i32_1 = arith.constant 0 : i32
    return %arg0, %c0_i32, %c0_i32_0 : i32, i32, i32
  }
  func.func @transform_3(%arg0: i32) -> (i32, i32) {
    %c0_i32 = arith.constant 0 : i32
    %c0_i32_0 = arith.constant 0 : i32
    return %arg0, %c0_i32 : i32, i32
  }
  func.func @transform_4(%arg0: i32) -> (i32, i32) {
    %c0_i32 = arith.constant 0 : i32
    %c0_i32_0 = arith.constant 0 : i32
    %c0_i32_1 = arith.constant 0 : i32
    return %c0_i32, %c0_i32_0 : i32, i32
  }
  func.func @transform_5(%arg0: i32) -> (i32, i32) {
    %c0_i32 = arith.constant 0 : i32
    %c0_i32_0 = arith.constant 0 : i32
    %c0_i32_1 = arith.constant 0 : i32
    return %c0_i32, %c0_i32_0 : i32, i32
  }
}

module attributes {stable_mosaic.version = 14 : i64} {
  func.func @_emb_body(%arg0: memref<1024x2048xf32, #tpu.memory_space<vmem>>, %arg1: memref<2048x128xf32, #tpu.memory_space<vmem>>, %arg2: memref<1x128xf32, #tpu.memory_space<vmem>>, %arg3: memref<1024x128xf32, #tpu.memory_space<vmem>>) attributes {dimension_semantics = [], scalar_prefetch = 0 : i64, scratch_operands = 0 : i64, tpu.core_type = #tpu.core_type<tc>} {
    %get3A = arith.constant 0 : index
    %get3A_0 = arith.constant 0 : index
    %get3A_1 = vector.load %arg0[%get3A, %get3A_0] : memref<1024x2048xf32, #tpu.memory_space<vmem>>, vector<1024x2048xf32>
    %get3A_2 = arith.constant 0 : index
    %get3A_3 = arith.constant 0 : index
    %get3A_4 = vector.load %arg1[%get3A_2, %get3A_3] : memref<2048x128xf32, #tpu.memory_space<vmem>>, vector<2048x128xf32>
    %dot_general3A = arith.constant dense<0.000000e+00> : vector<1024x128xf32>
    %dot_general3A_5 = tpu.matmul %get3A_1, %get3A_4, %dot_general3A {dimension_numbers = #tpu.dot_dimension_numbers<[1], [0], [0], [1], [0, 0, 1, 1], [], []>, transpose_lhs_hint = false} : vector<1024x2048xf32>, vector<2048x128xf32>, vector<1024x128xf32> -> vector<1024x128xf32>
    %get3A_6 = arith.constant 0 : index
    %get3A_7 = arith.constant 0 : index
    %get3A_8 = vector.load %arg2[%get3A_6, %get3A_7] : memref<1x128xf32, #tpu.memory_space<vmem>>, vector<1x128xf32>
    %add3A = vector.broadcast %get3A_8 : vector<1x128xf32> to vector<1024x128xf32>
    %add3A_9 = arith.addf %dot_general3A_5, %add3A : vector<1024x128xf32>
    %mul3A = arith.mulf %add3A_9, %add3A_9 : vector<1024x128xf32>
    %reduce_sum3A = arith.constant dense<0.000000e+00> : vector<1024xf32>
    %reduce_sum3A_10 = vector.multi_reduction <add>, %mul3A, %reduce_sum3A [1] : vector<1024x128xf32> to vector<1024xf32>
    %broadcast_in_dim3A = vector.shape_cast %reduce_sum3A_10 : vector<1024xf32> to vector<1024x1xf32>
    %sqrt3A = math.sqrt %broadcast_in_dim3A : vector<1024x1xf32>
    %max3A = arith.constant 9.99999996E-13 : f32
    %max3A_11 = vector.broadcast %max3A : f32 to vector<1024x1xf32>
    %max3A_12 = arith.maximumf %sqrt3A, %max3A_11 : vector<1024x1xf32>
    %div3A = vector.broadcast %max3A_12 : vector<1024x1xf32> to vector<1024x128xf32>
    %div3A_13 = arith.divf %add3A_9, %div3A : vector<1024x128xf32>
    %swap3A = arith.constant 0 : index
    %swap3A_14 = arith.constant 0 : index
    %swap3A_15 = vector.load %arg3[%swap3A, %swap3A_14] : memref<1024x128xf32, #tpu.memory_space<vmem>>, vector<1024x128xf32>
    tpu.vector_store %arg3[%swap3A, %swap3A_14], %div3A_13 {strides = array<i32>} : memref<1024x128xf32, #tpu.memory_space<vmem>>, vector<1024x128xf32>,
    return
  }
}

</mosaic_0001>

<sc_bundles>
// kernel: kernel.5.cloned.1.call-start
scs
__scs_entry_jumppad:
0x0: {  	(pc) =	sbr.rel $0x88, $3  }
0x1: {  	(tag) =	ssettag $0x0;
	lr =	simm.s32 $0x1  }
0x2: {  	[smem:$0x3F9B] =	sst lr;
	_ =	strace $0xD0000000  }
0x3: {  	_ = 	snop  }
0x4: {  	_ = 	snop  }
0x5: {  	_ = 	snop  }
0x6: {  	_ = 	snop  }
0x7: {  	_ = 	snop  }
__scs_overlays_trampoline_lowered:
0x8: {  	[smem:$0x3FAA] =	sst s0  }
0x9: {  	[smem:$0x3FAB] =	sst s1  }
0xa: {  	[smem:$0x3FAC] =	sst s2  }
0xb: {  	[smem:$0x3FAD] =	sst s3  }
0xc: {  	[smem:$0x3FAE] =	sst s4  }
0xd: {  	[smem:$0x3FAF] =	sst s5  }
0xe: {  	[smem:$0x3FB0] =	sst s6  }
0xf: {  	[smem:$0x3FB1] =	sst s7  }
0x10: {  	[smem:$0x3FB2] =	sst s8  }
0x11: {  	[smem:$0x3FB3] =	sst s9;
	s0 =	simm.s32 @!p0 $0x0  }
0x12: {  	s1 =	sld [smem:$0x3F99];
	s0 =	simm.s32 @p0 $0x1  }
0x13: {  	[smem:$0x3FB4] =	sst s0;
	s0 =	simm.s32 @!p1 $0x0  }
0x14: {  	s2 =	sld [smem:$0x3F98];
	s0 =	simm.s32 @p1 $0x1  }
0x15: {  	[smem:$0x3FB5] =	sst s0;
	s0 =	simm.s32 @!p2 $0x0  }
0x16: {  	s3 =	sld [smem:$0x3FDB];
	s0 =	simm.s32 @p2 $0x1  }
0x17: {  	s4 =	simm.s32 $0x1BF5;
	[smem:$0x3FB7] =	sst s0  }
0x18: {  	s0 =	sld [smem:$0x3F9A];
	_ =	swait.ge [sflag:s4], $0x0  }
0x19: {  	s7 =	sld [smem:$0x3F9B]  }
0x1a: {  	s8 =	sadd.s32 $0xFFFFE003, lr  }
0x1b: {  	s9 =	sadd.s32 $0xFFFFFEF7, lr;
	s5 =	simm.s32 $0xFFFFFFFF;
	p2 =	slt.u32 s8, $0xFFFFF086  }
0x1c: {  	p1 =	slt.u32 s9, $0xF7A;
	s5 =	simm.s32 @!p2 $0x0  }
0x1d: {  	s5 =	simm.s32 @p1 $0x1;
	p0 =	seq.s32 s7, s2  }
0x1e: {  	s7 =	smul.u32 @!p0 $0xF7A, s2;
	p2 =	seq.s32 @!p0 s5, $0x0  }
0x1f: {  	s9 =	smul.u32 $0xF7A, s1;
	s8 =	simm.s32 @!p0 $0x1BF5;
	p2 =	por !p2, p0  }
0x20: {  	[sflag:s8] =	ssyncset.s32 @!p0 $0xFFFFF086;
	s6 =	sadd.s32 @!p0 s3, s7;
	s7 =	simm.s32 @!p0 $0x108  }
0x21: {  	s3 =	sadd.s32 s3, s9;
	s6 =	sadd.s32 @!p0 $0x88, s6;
	s7 =	simm.s32 @p2 $0x1082  }
0x22: {  	[simem:s7], [sflag:s8] =	dma.local @!p0 [hbm:s6], $0xF7A  }
0x23: {  	s9 =	sor.u32 $0xD0000000, s2;
	s6 =	simm.s32 $0x108;
	_ =	swait.ge @!p0 [sflag:s8], $0x0  }
0x24: {  	s3 =	sadd.s32 $0x88, s3;
	s6 =	simm.s32 @!p1 $0x1082;
	[sflag:s4] =	ssyncset.s32 $0xFFFFF086  }
0x25: {  	[simem:s6], [sflag:s4] =	dma.local [hbm:s3], $0xF7A  }
0x26: {  	[smem:$0x3F9B] =	sst s1;
	(tag) =	ssettag s2;
	_ =	strace s9  }
0x27: {  	s1 =	sld [smem:$0x3FAB]  }
0x28: {  	s2 =	sld [smem:$0x3FAC]  }
0x29: {  	s4 =	sld [smem:$0x3FAE]  }
0x2a: {  	p0 =	seq.s32 s5, $0x0;
	s5 =	sld [smem:$0x3FAF]  }
0x2b: {  	s6 =	sld [smem:$0x3FB0]  }
0x2c: {  	s7 =	sld [smem:$0x3FB1]  }
0x2d: {  	s3 =	simm.s32 $0x108;
	s8 =	sld [smem:$0x3FB2]  }
0x2e: {  	s3 =	simm.s32 @!p0 $0x1082;
	s9 =	sld [smem:$0x3FB3]  }
0x2f: {  	lr =	sadd.s32 s0, s3;
	s0 =	sld [smem:$0x3FAA]  }
0x30: {  	s3 =	sld [smem:$0x3FAD]  }
0x31: {  	[smem:$0x3FB6] =	sst s10  }
0x32: {  	s10 =	sld [smem:$0x3FB4];
	_ =	sdelay $0x3  }
0x33: {  	p0 =	seq.s32 s10, $0x1;
	s10 =	sld [smem:$0x3FB6];
	_ =	sdelay $0x3  }
0x34: {  	[smem:$0x3FB6] =	sst s10  }
0x35: {  	s10 =	sld [smem:$0x3FB5];
	_ =	sdelay $0x3  }
0x36: {  	p1 =	seq.s32 s10, $0x1;
	s10 =	sld [smem:$0x3FB6];
	_ =	sdelay $0x3  }
0x37: {  	[smem:$0x3FB6] =	sst s10  }
0x38: {  	s10 =	sld [smem:$0x3FB7]  }
0x39: {  	_ = 	snop;
	(pc) =	sbr.ind lr, $3  }
0x3a: {  	_ = 	snop  }
0x3b: {  	_ = 	snop  }
0x3c: {  	p2 =	seq.s32 s10, $0x1;
	s10 =	sld [smem:$0x3FB6]  }
0x3d: {  	_ =	shalt  }
0x3e: {  	_ =	shalt  }
0x3f: {  	_ =	shalt  }
0x40: {  	_ =	shalt  }
0x41: {  	_ =	shalt  }
0x42: {  	_ =	shalt  }
0x43: {  	_ =	shalt  }
0x44: {  	_ =	shalt  }
0x45: {  	_ =	shalt  }
0x46: {  	_ =	shalt  }
0x47: {  	_ =	shalt  }
0x48: {  	_ =	shalt  }
0x49: {  	_ =	shalt  }
0x4a: {  	_ =	shalt  }
0x4b: {  	_ =	shalt  }
0x4c: {  	_ =	shalt  }
0x4d: {  	_ =	shalt  }
0x4e: {  	_ =	shalt  }
0x4f: {  	_ =	shalt  }
0x50: {  	_ =	shalt  }
0x51: {  	_ =	shalt  }
0x52: {  	_ =	shalt  }
0x53: {  	_ =	shalt  }
0x54: {  	_ =	shalt  }
0x55: {  	_ =	shalt  }
0x56: {  	_ =	shalt  }
0x57: {  	_ =	shalt  }
0x58: {  	_ =	shalt  }
0x59: {  	_ =	shalt  }
0x5a: {  	_ =	shalt  }
0x5b: {  	_ =	shalt  }
0x5c: {  	_ =	shalt  }
0x5d: {  	_ =	shalt  }
0x5e: {  	_ =	shalt  }
0x5f: {  	_ =	shalt  }
0x60: {  	_ =	shalt  }
0x61: {  	_ =	shalt  }
0x62: {  	_ =	shalt  }
0x63: {  	_ =	shalt  }
0x64: {  	_ =	shalt  }
0x65: {  	_ =	shalt  }
0x66: {  	_ =	shalt  }
0x67: {  	_ =	shalt  }
0x68: {  	_ =	shalt  }
0x69: {  	_ =	shalt  }
0x6a: {  	_ =	shalt  }
0x6b: {  	_ =	shalt  }
0x6c: {  	_ =	shalt  }
0x6d: {  	_ =	shalt  }
0x6e: {  	_ =	shalt  }
0x6f: {  	_ =	shalt  }
0x70: {  	_ =	shalt  }
0x71: {  	_ =	shalt  }
0x72: {  	_ =	shalt  }
0x73: {  	_ =	shalt  }
0x74: {  	_ =	shalt  }
0x75: {  	_ =	shalt  }
0x76: {  	_ =	shalt  }
0x77: {  	_ =	shalt  }
0x78: {  	_ =	shalt  }
0x79: {  	_ =	shalt  }
0x7a: {  	_ =	shalt  }
0x7b: {  	_ =	shalt  }
0x7c: {  	_ =	shalt  }
0x7d: {  	_ =	shalt  }
0x7e: {  	_ =	shalt  }
0x7f: {  	_ =	shalt  }
0x80: {  	_ =	shalt  }
0x81: {  	_ =	shalt  }
0x82: {  	_ =	shalt  }
0x83: {  	_ =	shalt  }
0x84: {  	_ =	shalt  }
0x85: {  	_ =	shalt  }
0x86: {  	_ =	shalt  }
0x87: {  	_ =	shalt  }
.Lfunc_end0:
.L_simem_size_0:
called_computation_lowered:
.L_overlay_start_0:
0x88: {  	s2 =	sld [smem:$0x3FD9]  }
0x89: {  	s3 =	sld [smem:$0x3FFE];
	_ =	sdelay $0x1  }
0x8a: {  	s1 =	srdreg.scid  }
0x8b: {  	s0 =	sand.u32 $0x1, s1  }
0x8c: {  	s14 =	sshll.u32 s0, $0xA;
	s2 =	sadd.s32 s3, s2  }
0x8d: {  	s2 =	sadd.s32 s2, s14  }
0x8e: {  	[smem:$0x3FC2] =	sst s2  }
0x8f: {  	_ = 	snop  }
0x90: {  	s2 =	sld [smem:$0x3FD0];
	_ =	sdelay $0x1  }
0x91: {  	s15 =	sld [smem:$0x3FC8]  }
0x92: {  	s5 =	simm.s32 $0xA;
	s6 =	simm.s32 $0x10;
	s4 =	sld [smem:$0x3FC7]  }
0x93: {  	[smem:s6], [sflag:s5] =	dma.local [hbm:s2], $0x1  }
0x94: {  	_ =	swait.eq [sflag:s5], $0x1  }
0x95: {  	[sflag:s5] =	ssyncset.done $0x0  }
0x96: {  	[sflag:s5] =	ssyncadd.s32 $0xFFFFFFFF  }
0x97: {  	s16 =	sld [smem:$0x11];
	(tm) =	ssettm $0x1  }
0x98: {  	s17 =	sld [smem:$0x3FFB];
	_ =	sdelay $0x3  }
0x99: {  	_ =	strace s17  }
0x9a: {  	s5 =	sld [smem:$0x3FFC];
	_ =	sdelay $0x3  }
0x9b: {  	_ =	strace s5  }
0x9c: {  	s5 =	sld [smem:$0x3FFD];
	_ =	sdelay $0x3  }
0x9d: {  	_ =	strace s5  }
0x9e: {  	_ =	strace $0x8FFFFFFF  }
0x9f: {  	s18 =	sld [smem:$0x3FDB];
	_ =	sdelay $0x1  }
0xa0: {  	s19 =	simm.s32 $_scs_section_size  }
0xa1: {  	s7 =	simm.s32 $_size__tile_overlayer_lowered;
	s8 =	simm.s32 $_tile_overlayer_lowered  }
0xa2: {  	s22 =	simm.s32 $0x1BFF;
	s21 =	sshll.u32 s8, $0x1;
	s5 =	sadd.s32 s19, s18  }
0xa3: {  	s9 =	simm.s32 $0x0;
	s20 =	sshll.u32 s7, $0x1;
	s7 =	sadd.s32 s21, s5  }
0xa4: {  	[timem:s9], [sflag:s22] =	dma.local [hbm:s7], s20  }
0xa5: {  	_ =	swait.ge [sflag:s22], s20  }
0xa6: {  	s6 =	ssub.s32 $0x0, s20;
	[sflag:s22] =	ssyncset.done $0x0  }
0xa7: {  	[sflag:s22] =	ssyncadd.s32 s6;
	_ =	sdelay $0x1  }
0xa8: {  	s23 =	simm.s32 $0x1B8B  }
0xa9: {  	_ =	swait.ge [sflag:s23], $0x1  }
0xaa: {  	[sflag:s23] =	ssyncset.done $0x0  }
0xab: {  	s25 =	simm.s32 $0x1B8E;
	s24 =	sld [smem:$0x3FFE];
	[sflag:s23] =	ssyncadd.s32 $0xFFFFFFFF  }
0xac: {  	s26 =	simm.s32 $execute0_lowered;
	[smem:$0x3FD2] =	sst s25  }
0xad: {  	s7 =	sshll.u32 s26, $0x1;
	_ =	strace $0x80000046;
	[dreg:$0x1] =	wrdreg $0xFFFFFFFF  }
0xae: {  	s28 =	simm.s32 $_size_execute0_lowered;
	s5 =	sadd.s32 s5, s7;
	[dreg:$0x0] =	wrdreg $0x0  }
0xaf: {  	s7 =	sshll.u32 s28, $0x1;
	[dreg:$0x2] =	wrdreg s5  }
0xb0: {  	[dreg:$0x3] =	wrdreg s7  }
0xb1: {  	[dreg:$0x4] =	wrdreg $0xC0  }
0xb2: {  	_ =	task [dreg:s9], $0x5FFFF  }
0xb3: {  	[dreg:$0x1] =	wrdreg $0xFFFFFFFF  }
0xb4: {  	[dreg:$0x0] =	wrdreg $0x60  }
0xb5: {  	[dreg:$0x2] =	wrdreg s24  }
0xb6: {  	[dreg:$0x3] =	wrdreg s15  }
0xb7: {  	[dreg:$0x4] =	wrdreg s4  }
0xb8: {  	[dreg:$0x5] =	wrdreg s16  }
0xb9: {  	[dreg:$0x6] =	wrdreg $0x9  }
0xba: {  	_ =	task.clear_ibuf [dreg:s9], $0x7FFFF;
	_ =	strace $0x90000046  }
0xbb: {  	s29 =	simm.s32 $0x9;
	_ =	strace $0x80000048  }
0xbc: {  	_ =	swait.ge [sflag:s29], $0x1  }
0xbd: {  	[sflag:s29] =	ssyncadd.s32 $0xFFFFFFFF  }
0xbe: {  	_ =	strace $0x90000048  }
0xbf: {  	_ =	sfence  }
0xc0: {  	s30 =	sld [smem:$0x0];
	_ =	sdelay $0x2  }
0xc1: {  	s31 =	sshll.u32 s1, $0xD;
	s1 =	sshrl.u32 s1, $0x2  }
0xc2: {  	s3 =	sand.u32 $0x4000, s31;
	s1 =	sadd.s32 s1, s30  }
0xc3: {  	s0 =	sor.u32 s3, s0;
	s1 =	sshll.u32 s1, $0x11  }
0xc4: {  	s0 =	sor.u32 s1, s0  }
0xc5: {  	s0 =	sadd.s32 $0x8F2B, s0  }
0xc6: {  	[sflag:s0] =	ssyncadd.remote.s32 $0x1  }
0xc7: {  	_ =	sfence.sel $0xFFFF  }
0xc8: {  	[dreg:$0x0] =	wrdreg $0xFFFFFFFF;
	(pc) =	sbr.abs _section_cstart, $3  }
0xc9: {  	[dreg:$0x1] =	wrdreg $0xFFFFFFFF  }
0xca: {  	_ =	task.clear_ibuf [dreg:s9], $0x2FFFF;
	_ =	strace $0x9FFFFFFF  }
0xcb: {  	(tm) =	ssettm $0x7FFFFFFF  }
tec
execute0_lowered:
.L_overlay_start_1:
0x0: {  	(tag) =	ssettag $0x1  }
0x1: {  	s4 =	rddreg [dreg:$0x0]  }
0x2: {  	s5 =	rddreg [dreg:$0x1]  }
0x3: {  	s2 =	rddreg [dreg:$0x2]  }
0x4: {  	s6 =	rddreg [dreg:$0x3]  }
0x5: {  	s3 =	srdreg.scid;
	s0 =	rddreg [dreg:$0x4]  }
0x6: {  	s1 =	stileid.u32;
	s13 =	simm.s32 $0x20;
	s14 =	simm.s32 $0x4100  }
0x7: {  	s15 =	simm.s32 $0x0;
	s7 =	sand.u32 $0x1, s3;
	s3 =	simm.s32 $0x0  }
0x8: {  	s8 =	sshll.u32 s1, $0x10;
	s10 =	sshll.u32 s1, $0x1;
	s11 =	sshll.u32 s1, $0x14  }
0x9: {  	s9 =	sshll.u32 s7, $0xF;
	[smem:$0x7FF] =	sst s3;
	s29 =	ssub.s32 $0x2, s7  }
0xa: {  	s10 =	sor.u32 s7, s10;
	s11 =	sadd.s32 s11, s4;
	s7 =	sshll.u32 s7, $0x13  }
0xb: {  	s8 =	sor.u32 s9, s8;
	_ =	strace $0x80000047;
	s12 =	sshrl.u32 s29, $0x1  }
0xc: {  	s30 =	sshll.u32 s10, $0x2;
	s31 =	sshll.u32 s10, $0x9;
	s7 =	sadd.s32 s7, s11  }
0xd: {  	s10 =	simm.s32 $0x80;
	s11 =	simm.s32 $0x1;
	s8 =	sshrl.u32 s8, $0x3  }
0xe: {  	s9 =	ssub.s32 s29, s12;
	s7 =	sadd.s32 $0x21200, s7;
	s12 =	simm.s32 $0x4080  }
0xf: {  	s8 =	sadd.s32 s8, s4;
	s4 =	sadd.s32 s5, s30;
	s5 =	sadd.s32 s6, s31  }
0x10: {  	s6 =	smax.u32 s9, $0x1;
	s9 =	simm.s32 $0x2;
	s8 =	sadd.s32 $0x1200, s8  }
.LBB2_1:
0x11: {  	s16 =	sadd.s32 $0x0, s8  }
0x12: {  	[tilespmem:s3], [sflag:$0x2] =	stream.linear.gather [hbm4b:s16+s3], $0x80, $0x38;
	[tilespmem:$0x5100] =	vst v63  }
0x13: {  	_ =	swait.ge [sflag:s9], $0x80  }
0x14: {  	[sflag:s9] =	ssyncset.done $0x0  }
0x15: {  	[sflag:s9] =	ssyncadd.s32 $0xFFFFFF80  }
0x16: {  	[tilespmem:s10], [sflag:$0x1] =	stream.indirect.gather [hbm4b:s2+s10], $0x80, s3, s10, $0xb8;
	[tilespmem:$0x5100] =	vst v63  }
0x17: {  	_ =	swait.ge [sflag:s11], $0x4000  }
0x18: {  	[sflag:s11] =	ssyncset.done $0x0  }
0x19: {  	[sflag:s11] =	ssyncadd.s32 $0xFFFFC000  }
0x1a: {  	[hbm4b:s7+s3] =	stream.linear.scatter [tilespmem:s10], [sflag:$0x2], $0x4000, $0x38;
	[tilespmem:$0x5100] =	vst v63  }
0x1b: {  	s17 =	simm.s32 $0x10;
	_ =	swait.ge [sflag:s9], $0x4000  }
0x1c: {  	s18 =	simm.s32 $0x20;
	s16 =	sadd.s32 $0x800, s7;
	[sflag:s9] =	ssyncset.done $0x0  }
.LBB2_2:
0x1d: {  	s19 =	sadd.s32 s17, s8  }
0x1e: {  	[sflag:s9] =	ssyncadd.s32 $0xFFFFC000;
	s17 =	smov.u32 s18;
	s20 =	sadd.s32 $0x10, s18  }
0x1f: {  	[tilespmem:s3], [sflag:$0x2] =	stream.linear.gather [hbm4b:s19+s3], $0x80, $0x38;
	[tilespmem:$0x5100] =	vst v63  }
0x20: {  	p0 =	sne.s32 s18, $0xFF0;
	_ =	swait.ge [sflag:s9], $0x80  }
0x21: {  	[sflag:s9] =	ssyncset.done $0x0  }
0x22: {  	[sflag:s9] =	ssyncadd.s32 $0xFFFFFF80  }
0x23: {  	[tilespmem:s10], [sflag:$0x1] =	stream.indirect.gather [hbm4b:s2+s10], $0x80, s3, s10, $0xb8;
	[tilespmem:$0x5100] =	vst v63  }
0x24: {  	_ =	swait.ge [sflag:s11], $0x4000  }
.Ltmp0:
0x25: {  	[sflag:s11] =	ssyncset.done $0x0;
	(pc) =	sbr.rel @p0 .LBB2_2-.Ltmp0, $4  }
0x26: {  	[sflag:s11] =	ssyncadd.s32 $0xFFFFC000  }
0x27: {  	[hbm4b:s16+s3] =	stream.linear.scatter [tilespmem:s10], [sflag:$0x2], $0x4000, $0x38;
	[tilespmem:$0x5100] =	vst v63  }
0x28: {  	_ =	swait.ge [sflag:s9], $0x4000  }
0x29: {  	s18 =	smov.u32 s20;
	s16 =	sadd.s32 $0x800, s16;
	[sflag:s9] =	ssyncset.done $0x0  }
0x2a: {  	s17 =	sadd.s32 s17, s8;
	[sflag:s9] =	ssyncadd.s32 $0xFFFFC000  }
0x2b: {  	[tilespmem:s3], [sflag:$0x2] =	stream.linear.gather [hbm4b:s17+s3], $0x80, $0x38;
	[tilespmem:$0x5100] =	vst v63  }
0x2c: {  	_ =	swait.ge [sflag:s9], $0x80  }
0x2d: {  	[sflag:s9] =	ssyncset.done $0x0  }
0x2e: {  	[sflag:s9] =	ssyncadd.s32 $0xFFFFFF80  }
0x2f: {  	[tilespmem:s10], [sflag:$0x1] =	stream.indirect.gather [hbm4b:s2+s10], $0x80, s3, s10, $0xb8;
	[tilespmem:$0x5100] =	vst v63  }
0x30: {  	_ =	swait.ge [sflag:s11], $0x4000  }
0x31: {  	[sflag:s11] =	ssyncset.done $0x0  }
0x32: {  	[sflag:s11] =	ssyncadd.s32 $0xFFFFC000  }
0x33: {  	[hbm4b:s16+s3] =	stream.linear.scatter [tilespmem:s10], [sflag:$0x2], $0x4000, $0x38;
	[tilespmem:$0x5100] =	vst v63  }
0x34: {  	_ =	swait.ge [sflag:s9], $0x4000  }
0x35: {  	[sflag:s9] =	ssyncset.done $0x0  }
0x36: {  	[sflag:s9] =	ssyncadd.s32 $0xFFFFC000  }
0x37: {  	[tilespmem:s12], [sflag:$0x2] =	stream.linear.gather [hbm4b:s4+s3], $0x20, $0x38;
	[tilespmem:$0x5100] =	vst v63  }
0x38: {  	_ =	swait.ge [sflag:s9], $0x20  }
0x39: {  	[sflag:s9] =	ssyncset.done $0x0  }
0x3a: {  	[sflag:s9] =	ssyncadd.s32 $0xFFFFFFE0  }
0x3b: {  	[tilespmem:s14], [sflag:$0x1] =	stream.indirect.gather [hbm4b:s2+s13], $0x80, s12, s13, $0xb8;
	[tilespmem:$0x5100] =	vst v63  }
0x3c: {  	s15 =	sadd.s32 $0x1, s15;
	_ =	swait.ge [sflag:s11], $0x1000  }
0x3d: {  	p0 =	sne.s32 s15, s6;
	[sflag:s11] =	ssyncset.done $0x0  }
.Ltmp1:
0x3e: {  	[sflag:s11] =	ssyncadd.s32 $0xFFFFF000;
	(pc) =	sbr.rel @p0 .LBB2_1-.Ltmp1, $4  }
0x3f: {  	[hbm4b:s5+s3] =	stream.linear.scatter [tilespmem:s14], [sflag:$0x2], $0x1000, $0x38;
	[tilespmem:$0x5100] =	vst v63  }
0x40: {  	_ =	swait.ge [sflag:s9], $0x1000  }
0x41: {  	[sflag:s9] =	ssyncset.done $0x0  }
0x42: {  	[sflag:s9] =	ssyncadd.s32 $0xFFFFF000  }
0x43: {  	_ =	sfence.sel $0x180000  }
0x44: {  	[bflag:$0x0] =	sbarrier.arrive $0xFFFF  }
0x45: {  	p0 =	sne.s32 s1, $0x0;
	_ =	strace $0x90000047  }
0x46: {  	s0 =	sadd.s32 @!p0 $0x100000, s0;
	[bflag:$0x2] =	sbarrier.arrive $0xFFFF  }
0x47: {  	[sflag:s0] =	ssyncadd.tile.s32 @!p0 $0x1;
	_ =	shalt  }
.Lfunc_end2:
_tile_overlayer_lowered:
.L_overlay_start_2:
0x48: {  	(tag) =	ssettag $0x2  }
0x49: {  	s0 =	rddreg [dreg:$0x0];
	s2 =	stileid.u32  }
0x4a: {  	s1 =	rddreg [dreg:$0x1];
	p0 =	sne.s32 s2, $0x0  }
0x4b: {  	s3 =	rddreg [dreg:$0x2];
	[bflag:$0x3] =	sbarrier.arrive $0xFFFF;
	s2 =	simm.s32 @!p0 $0x1C02  }
0x4c: {  	[timem:s3], [sflag:s2] =	dma.local @!p0 [hbm:s0], s1  }
0x4d: {  	s0 =	simm.s32 @!p0 $0x2  }
0x4e: {  	_ =	swait.ge @!p0 [sflag:s0], s1  }
0x4f: {  	s1 =	ssub.s32 @!p0 $0x0, s1;
	[sflag:s0] =	ssyncset.done @!p0 $0x0  }
0x50: {  	[sflag:s0] =	ssyncadd.s32 @!p0 s1  }
0x51: {  	[bflag:$0x3] =	sbarrier.arrive $0xFFFF  }
0x52: {  	_ =	shalt  }

</sc_bundles>
